<compile_context>
chip_gen: v7x
topology: tpu7x:2x2x1
jax: 0.10.2.dev20260603
libtpu: 0.0.44.dev20260713+nightly
codegen_flags: <defaults>
</compile_context>

<pallas_src>
import functools

import jax
import jax.numpy as jnp
from jax import lax
from jax.experimental import pallas as pl
from jax.experimental.pallas import tpu as pltpu
from jax.experimental.pallas import tpu_sc as plsc

N = 160000
D = 256
NH = 4
HP = 16
NSEG = 10000
EPS = 1e-5

LIN = N * HP // 128
OLIN = N // 128

TB = 8000
TB2L = 2048

NW = 32
CH = N // NW
CW = 125
NCH = CH // CW
NSEGP = 10240
SEG_STRIPE = NSEGP // 16


def _pack_lanes(v, groups):
    r, k = v.shape
    v3 = v.reshape(r // groups, groups, k)
    return jnp.concatenate([v3[:, u, :] for u in range(groups)], axis=1)


def _tc1_body(x_ref, w1_ref, w2_ref, aug_ref, b1_ref, b2_ref,
              l8_ref, l9_ref, bbp_ref, maskp_ref, o_ref):
    HB = TB // 20
    HO = HB * HP // 128
    for half in range(20):
        xb = x_ref[half * HB:(half + 1) * HB, :].astype(jnp.bfloat16)
        acc1 = jnp.dot(xb, w1_ref[...], preferred_element_type=jnp.float32)
        h1b = jnp.maximum(acc1.astype(jnp.bfloat16) + b1_ref[...], 0)
        acc2 = jnp.dot(h1b, w2_ref[...], preferred_element_type=jnp.float32)
        h2b = jnp.maximum(acc2.astype(jnp.bfloat16) + b2_ref[...], 0)
        lhs = jnp.concatenate([h2b, h2b * h2b], axis=1)
        tm = jnp.dot(lhs, aug_ref[...], preferred_element_type=jnp.float32)
        tp = _pack_lanes(tm, 128 // HP)
        mu = tp * l8_ref[...] * (1.0 / D)
        s2l = jnp.roll(tp * l9_ref[...], -1, axis=1) * (1.0 / D)
        v = s2l - mu * mu
        v = v + jnp.roll(v, 1, axis=1)
        v = v + jnp.roll(v, 2, axis=1)
        v = v + jnp.roll(v, 4, axis=1)
        v = v + jnp.roll(v, -8, axis=1)
        inv = jax.lax.rsqrt(v + EPS)
        raw = inv * tp + bbp_ref[...]
        e = jnp.exp(jax.nn.sigmoid(raw)) * maskp_ref[...]
        o_ref[half * HO:(half + 1) * HO, :] = e


def _tc1(x, w1t, w2t, aug, b1r, b2r, l8, l9, bbp, maskp):
    grid = (N // TB,)
    full = lambda shape: pl.BlockSpec(shape, lambda i: (0, 0))
    return pl.pallas_call(
        _tc1_body,
        grid=grid,
        in_specs=[
            pl.BlockSpec((TB, D), lambda i: (i, 0)),
            full((D, D)), full((D, D)), full((2 * D, HP)),
            full((1, D)), full((1, D)),
            full((1, 128)), full((1, 128)), full((1, 128)), full((1, 128)),
        ],
        out_specs=pl.BlockSpec((TB * HP // 128, 128), lambda i: (i, 0)),
        out_shape=jax.ShapeDtypeStruct((LIN, 128), jnp.float32),
    )(x, w1t, w2t, aug, b1r, b2r, l8, l9, bbp, maskp)


def _sc_mesh():
    return plsc.VectorSubcoreMesh(core_axis_name="c", subcore_axis_name="s")


@jax.jit
def _sc_k1(e, row3, zeros):
    @functools.partial(
        pl.kernel,
        out_type=jax.ShapeDtypeStruct((2, NSEGP, HP), jnp.float32),
        mesh=_sc_mesh(),
        compiler_params=pltpu.CompilerParams(use_tc_tiling_on_sc=False),
        scratch_types=[
            pltpu.VMEM((CH, HP), jnp.float32),
            pltpu.VMEM((NCH, CW), jnp.int32),
            pltpu.VMEM_SHARED((NSEGP, HP), jnp.float32),
            pltpu.SemaphoreType.DMA,
        ],
    )
    def k(e_hbm, row_hbm, z_hbm, p_hbm, e_v, row_v, acc_sh, sem):
        c = lax.axis_index("c")
        s = lax.axis_index("s")
        wid = s * 2 + c

        @pl.when(s == 0)
        def _():
            pltpu.sync_copy(z_hbm, acc_sh)

        pltpu.async_copy(e_hbm.at[pl.ds(wid * CH, CH)], e_v, sem).wait()
        pltpu.async_copy(row_hbm.at[wid], row_v, sem).wait()
        plsc.subcore_barrier()

        @pl.loop(0, NCH)
        def _(j):
            pltpu.sync_copy(e_v.at[pl.ds(j * CW, CW)],
                            acc_sh.at[row_v.at[j]], add=True)

        plsc.subcore_barrier()
        pltpu.sync_copy(acc_sh.at[pl.ds(s * SEG_STRIPE, SEG_STRIPE)],
                        p_hbm.at[c].at[pl.ds(s * SEG_STRIPE, SEG_STRIPE)])

    return k(e, row3, zeros)


@jax.jit
def _sc_k2(recip, row3):
    @functools.partial(
        pl.kernel,
        out_type=jax.ShapeDtypeStruct((N, HP), jnp.float32),
        mesh=_sc_mesh(),
        compiler_params=pltpu.CompilerParams(use_tc_tiling_on_sc=False),
        scratch_types=[
            pltpu.VMEM((CH, HP), jnp.float32),
            pltpu.VMEM((NCH, CW), jnp.int32),
            pltpu.VMEM_SHARED((NSEGP, HP), jnp.float32),
            pltpu.SemaphoreType.DMA,
        ],
    )
    def k(recip_hbm, row_hbm, r_hbm, g_v, row_v, recip_sh, sem):
        c = lax.axis_index("c")
        s = lax.axis_index("s")
        wid = s * 2 + c

        @pl.when(s == 0)
        def _():
            pltpu.sync_copy(recip_hbm, recip_sh)

        pltpu.async_copy(row_hbm.at[wid], row_v, sem).wait()
        plsc.subcore_barrier()

        @pl.loop(0, NCH)
        def _(j):
            pltpu.sync_copy(recip_sh.at[row_v.at[j]],
                            g_v.at[pl.ds(j * CW, CW)])

        pltpu.sync_copy(g_v, r_hbm.at[pl.ds(wid * CH, CH)])

    return k(recip, row3)


PHALF = NSEGP * HP // 128


def _tcmid_body(p_ref, o_ref):
    acc = p_ref[:PHALF, :] + p_ref[PHALF:, :]
    o_ref[...] = jnp.where(acc > 0.0, 1.0 / acc, 0.0)


def _tcmid(p_lin):
    return pl.pallas_call(
        _tcmid_body,
        in_specs=[pl.BlockSpec((2 * PHALF, 128), lambda: (0, 0))],
        out_specs=pl.BlockSpec((PHALF, 128), lambda: (0, 0)),
        out_shape=jax.ShapeDtypeStruct((PHALF, 128), jnp.float32),
    )(p_lin)


def _tc2_body(e_ref, r_ref, g_ref, o_ref):
    prod = e_ref[...] * r_ref[...]
    sums = 0.25 * jnp.dot(prod, g_ref[...],
                          preferred_element_type=jnp.float32)
    o_ref[...] = _pack_lanes(sums, HP)


def _tc2(e_lin, r_lin, g):
    grid = ((LIN + TB2L - 1) // TB2L,)
    return pl.pallas_call(
        _tc2_body,
        grid=grid,
        in_specs=[pl.BlockSpec((TB2L, 128), lambda i: (i, 0)),
                  pl.BlockSpec((TB2L, 128), lambda i: (i, 0)),
                  pl.BlockSpec((128, 128 // HP), lambda i: (0, 0))],
        out_specs=pl.BlockSpec((TB2L // HP, 128), lambda i: (i, 0)),
        out_shape=jax.ShapeDtypeStruct((OLIN, 128), jnp.float32),
    )(e_lin, r_lin, g)


def kernel(x, row, alpha, W1, b1, W2, b2, ln_g, ln_b, Wa, ba):
    b1_eff = (b1 + alpha[0, 0] * W1[:, D]).reshape(1, D).astype(jnp.bfloat16)
    w1t = W1[:, :D].T.astype(jnp.bfloat16)
    w2t = W2.T.astype(jnp.bfloat16)
    wa_g = Wa * ln_g[None, :]
    swa = jnp.sum(wa_g, axis=1)
    aug = (jnp.zeros((2 * D, HP), jnp.float32)
           .at[:D, :NH].set(wa_g.T - swa[None, :] * (1.0 / D))
           .at[:D, 8].set(1.0)
           .at[D:, 9].set(1.0)).astype(jnp.bfloat16)
    bb = ba + Wa @ ln_b
    lane = jnp.arange(128)
    l8 = (lane % HP == 8).astype(jnp.float32).reshape(1, 128)
    l9 = (lane % HP == 9).astype(jnp.float32).reshape(1, 128)
    bbp = jnp.where(lane % HP < NH, bb[lane % NH], 0.0).reshape(1, 128)
    maskp = (lane % HP < NH).astype(jnp.float32).reshape(1, 128)
    row3 = row.reshape(NW, NCH, CW)
    zeros = jnp.zeros((NSEGP, HP), jnp.float32)
    g = (jnp.arange(128)[:, None] // HP ==
         jnp.arange(128 // HP)[None, :]).astype(jnp.float32)

    e_lin = _tc1(x, w1t, w2t, aug, b1_eff,
                 b2.reshape(1, D).astype(jnp.bfloat16), l8, l9, bbp, maskp)
    e8 = e_lin.reshape(N, HP)
    partials = _sc_k1(e8, row3, zeros)
    recip_lin = _tcmid(partials.reshape(2 * PHALF, 128))
    r8 = _sc_k2(recip_lin.reshape(NSEGP, HP), row3)
    out_lin = _tc2(e_lin, r8.reshape(LIN, 128), g)
    return out_lin.reshape(N, 1)

# --- scband reference (transcript-rebuilt; emitter-appended) ---
"""Pipeline reference for scband-enhanced-attention-layer-16415365005739 (READ-ONLY COPY).

The authoritative reference and input builder live on the scoring server;
editing this copy changes nothing except your own understanding.
"""

import jax, jax.numpy as jnp
import numpy as np

N = 160000
D = 256
H = 256
NH = 4
NSEG = 10000
TEMP = 1.0
EPS = 1e-5

def setup_inputs(seed: int = 0) -> dict:
    key = jax.random.key(seed)
    ks = jax.random.split(key, 12)
    x = jax.random.normal(ks[0], (N, D), dtype=jnp.float32)
    row = jnp.sort(jax.random.randint(ks[1], (N,), 0, NSEG, dtype=jnp.int32))
    alpha = jax.random.uniform(ks[2], (1, 1), dtype=jnp.float32)
    W1 = jax.random.normal(ks[3], (H, D + 1), dtype=jnp.float32) * 0.05
    b1 = jax.random.normal(ks[4], (H,), dtype=jnp.float32) * 0.05
    W2 = jax.random.normal(ks[5], (D, H), dtype=jnp.float32) * 0.05
    b2 = jax.random.normal(ks[6], (D,), dtype=jnp.float32) * 0.05
    ln_g = jnp.ones((D,), dtype=jnp.float32)
    ln_b = jnp.zeros((D,), dtype=jnp.float32)
    Wa = jax.random.normal(ks[7], (NH, D), dtype=jnp.float32) * 0.05
    ba = jax.random.normal(ks[8], (NH,), dtype=jnp.float32) * 0.05
    return {"x": x, "row": row, "alpha": alpha, "W1": W1, "b1": b1, "W2": W2, "b2": b2, "ln_g": ln_g, "ln_b": ln_b, "Wa": Wa, "ba": ba}

def _layernorm(h, g, b):
    mu = jnp.mean(h, axis=-1, keepdims=True)
    var = jnp.mean((h - mu) ** 2, axis=-1, keepdims=True)
    return (h - mu) / jnp.sqrt(var + EPS) * g + b

def reference(x, row, alpha, W1, b1, W2, b2, ln_g, ln_b, Wa, ba):
    alpha_expanded = jnp.broadcast_to(alpha, (x.shape[0], 1))
    x_alpha = jnp.concatenate([x, alpha_expanded], axis=1)
    h = jax.nn.relu(x_alpha @ W1.T + b1)
    h = jax.nn.relu(h @ W2.T + b2)
    h = _layernorm(h, ln_g, ln_b)
    raw_att = h @ Wa.T + ba
    att_sigmoid = jax.nn.sigmoid(raw_att)
    # group-wise softmax over segments defined by row (equivalent to the per-unique-group loop)
    s = att_sigmoid / TEMP
    seg_max = jax.ops.segment_max(s, row, num_segments=NSEG)
    seg_max = jnp.where(jnp.isfinite(seg_max), seg_max, 0.0)
    e = jnp.exp(s - seg_max[row])
    seg_sum = jax.ops.segment_sum(e, row, num_segments=NSEG)
    norm_att = e / seg_sum[row]
    att_final = jnp.mean(norm_att, axis=1, keepdims=True)
    return att_final

if __name__ == "__main__":
    import jax
    _d = setup_inputs()
    print(jax.jit(kernel)(*tuple(_d.values())))

</pallas_src>

<mosaic_0001>
#map = affine_map<(d0, d1) -> (0, 0)>
#map1 = affine_map<(d0, d1) -> (0, 0, 0)>
module attributes {stable_mosaic.version = 14 : i64} {
  func.func @k(%arg0: i32, %arg1: i32, %arg2: memref<160000x16xf32, #tpu.memory_space<hbm>>, %arg3: memref<32x40x125xi32, #tpu.memory_space<hbm>>, %arg4: memref<10240x16xf32, #tpu.memory_space<hbm>>, %arg5: memref<2x10240x16xf32, #tpu.memory_space<hbm>>, %arg6: memref<5000x16xf32, #tpu.memory_space<vmem>>, %arg7: memref<40x125xi32, #tpu.memory_space<vmem>>, %arg8: memref<10240x16xf32, #tpu.memory_space<vmem_shared>>, %arg9: memref<!tpu.dma_semaphore, #tpu.memory_space<semaphore_mem>>) attributes {dimension_semantics = [#tpu.dimension_semantics<core_parallel>, #tpu.dimension_semantics<subcore_parallel>], iteration_bounds = array<i64: 2, 16>, scalar_prefetch = 0 : i64, scratch_operands = 4 : i64, tpu.core_type = #tpu.core_type<sc_vector_subcore>, window_params = [{transform_indices = #map}, {transform_indices = #map1}, {transform_indices = #map}, {transform_indices = #map1}]} {
    %mul3A = arith.constant 2 : i32
    %mul3A_0 = arith.muli %arg1, %mul3A : i32
    %add3A = arith.addi %mul3A_0, %arg0 : i32
    %eq3A = arith.constant 0 : i32
    %eq3A_1 = arith.cmpi eq, %arg1, %eq3A : i32
    %convert_element_type3A = arith.extui %eq3A_1 : i1 to i32
    %cond3A = arith.constant 0 : i32
    %cond3A_2 = arith.cmpi ne, %convert_element_type3A, %cond3A : i32
    scf.if %cond3A_2 {
      "tpu.region"() ({
        %run_scoped3A = tpu.sem_alloc : memref<!tpu.dma_semaphore, #tpu.memory_space<semaphore_mem>>
        tpu.enqueue_dma source(%arg4 : memref<10240x16xf32, #tpu.memory_space<hbm>>) target(%arg8 : memref<10240x16xf32, #tpu.memory_space<vmem_shared>>) target_semaphore(%run_scoped3A : memref<!tpu.dma_semaphore, #tpu.memory_space<semaphore_mem>>)
        tpu.wait_dma2 semaphore(%run_scoped3A : memref<!tpu.dma_semaphore, #tpu.memory_space<semaphore_mem>>) src(%arg4 : memref<10240x16xf32, #tpu.memory_space<hbm>>) dst(%arg8 : memref<10240x16xf32, #tpu.memory_space<vmem_shared>>)
        tpu.yield
      }) : () -> ()
    } else {
    }
    %mul3A_3 = arith.constant 5000 : i32
    %mul3A_4 = arith.muli %add3A, %mul3A_3 : i32
    %dma_start3A = arith.constant 0 : i32
    %dma_start3A_5 = tpu.memref_slice %arg2[%mul3A_4, %dma_start3A] : memref<160000x16xf32, #tpu.memory_space<hbm>> -> memref<5000x16xf32, #tpu.memory_space<hbm>>
    %dma_start3A_6 = arith.constant 0 : i32
    %dma_start3A_7 = tpu.memref_slice %arg2[%mul3A_4, %dma_start3A_6] : memref<160000x16xf32, #tpu.memory_space<hbm>> -> memref<5000x16xf32, #tpu.memory_space<hbm>>
    tpu.enqueue_dma source(%dma_start3A_7 : memref<5000x16xf32, #tpu.memory_space<hbm>>) target(%arg6 : memref<5000x16xf32, #tpu.memory_space<vmem>>) target_semaphore(%arg9 : memref<!tpu.dma_semaphore, #tpu.memory_space<semaphore_mem>>)
    %dma_wait3A = arith.constant 0 : i32
    %dma_wait3A_8 = tpu.memref_slice %arg2[%mul3A_4, %dma_wait3A] : memref<160000x16xf32, #tpu.memory_space<hbm>> -> memref<5000x16xf32, #tpu.memory_space<hbm>>
    %dma_wait3A_9 = arith.constant 0 : i32
    %dma_wait3A_10 = tpu.memref_slice %arg2[%mul3A_4, %dma_wait3A_9] : memref<160000x16xf32, #tpu.memory_space<hbm>> -> memref<5000x16xf32, #tpu.memory_space<hbm>>
    tpu.wait_dma2 semaphore(%arg9 : memref<!tpu.dma_semaphore, #tpu.memory_space<semaphore_mem>>) src(%dma_wait3A_10 : memref<5000x16xf32, #tpu.memory_space<hbm>>) dst(%arg6 : memref<5000x16xf32, #tpu.memory_space<vmem>>)
    %dma_start3A_11 = arith.constant 0 : i32
    %dma_start3A_12 = arith.constant 0 : i32
    %dma_start3A_13 = tpu.memref_slice %arg3[%add3A, %dma_start3A_11, %dma_start3A_12] : memref<32x40x125xi32, #tpu.memory_space<hbm>> -> memref<1x40x125xi32, #tpu.memory_space<hbm>>
    %dma_start3A_14 = tpu.memref_squeeze %dma_start3A_13 : memref<1x40x125xi32, #tpu.memory_space<hbm>> -> memref<40x125xi32, #tpu.memory_space<hbm>>
    %dma_start3A_15 = arith.constant 0 : i32
    %dma_start3A_16 = arith.constant 0 : i32
    %dma_start3A_17 = tpu.memref_slice %arg3[%add3A, %dma_start3A_15, %dma_start3A_16] : memref<32x40x125xi32, #tpu.memory_space<hbm>> -> memref<1x40x125xi32, #tpu.memory_space<hbm>>
    %dma_start3A_18 = tpu.memref_squeeze %dma_start3A_17 : memref<1x40x125xi32, #tpu.memory_space<hbm>> -> memref<40x125xi32, #tpu.memory_space<hbm>>
    tpu.enqueue_dma source(%dma_start3A_18 : memref<40x125xi32, #tpu.memory_space<hbm>>) target(%arg7 : memref<40x125xi32, #tpu.memory_space<vmem>>) target_semaphore(%arg9 : memref<!tpu.dma_semaphore, #tpu.memory_space<semaphore_mem>>)
    %dma_wait3A_19 = arith.constant 0 : i32
    %dma_wait3A_20 = arith.constant 0 : i32
    %dma_wait3A_21 = tpu.memref_slice %arg3[%add3A, %dma_wait3A_19, %dma_wait3A_20] : memref<32x40x125xi32, #tpu.memory_space<hbm>> -> memref<1x40x125xi32, #tpu.memory_space<hbm>>
    %dma_wait3A_22 = tpu.memref_squeeze %dma_wait3A_21 : memref<1x40x125xi32, #tpu.memory_space<hbm>> -> memref<40x125xi32, #tpu.memory_space<hbm>>
    %dma_wait3A_23 = arith.constant 0 : i32
    %dma_wait3A_24 = arith.constant 0 : i32
    %dma_wait3A_25 = tpu.memref_slice %arg3[%add3A, %dma_wait3A_23, %dma_wait3A_24] : memref<32x40x125xi32, #tpu.memory_space<hbm>> -> memref<1x40x125xi32, #tpu.memory_space<hbm>>
    %dma_wait3A_26 = tpu.memref_squeeze %dma_wait3A_25 : memref<1x40x125xi32, #tpu.memory_space<hbm>> -> memref<40x125xi32, #tpu.memory_space<hbm>>
    tpu.wait_dma2 semaphore(%arg9 : memref<!tpu.dma_semaphore, #tpu.memory_space<semaphore_mem>>) src(%dma_wait3A_26 : memref<40x125xi32, #tpu.memory_space<hbm>>) dst(%arg7 : memref<40x125xi32, #tpu.memory_space<vmem>>)
    %barrier3A = arith.constant 0 : index
    tpu.barrier barrier_id(%barrier3A)
    %scan3A = arith.constant 0 : i32
    %scan3A_27 = arith.constant 40 : i32
    %scan3A_28 = arith.addi %scan3A, %scan3A_27 : i32
    %scan3A_29 = arith.constant 1 : i32
    scf.for %scan3A_36 = %scan3A to %scan3A_28 step %scan3A_29  : i32 {
      %mul3A_37 = arith.constant 1 : i32
      %mul3A_38 = arith.muli %scan3A_36, %mul3A_37 : i32
      %add3A_39 = arith.constant 0 : i32
      %add3A_40 = arith.addi %add3A_39, %mul3A_38 : i32
      %mul3A_41 = arith.constant 125 : i32
      %mul3A_42 = arith.muli %add3A_40, %mul3A_41 : i32
      "tpu.region"() ({
        %run_scoped3A = tpu.sem_alloc : memref<!tpu.dma_semaphore, #tpu.memory_space<semaphore_mem>>
        %dma_start3A_43 = arith.constant 0 : i32
        %dma_start3A_44 = tpu.memref_slice %arg6[%mul3A_42, %dma_start3A_43] : memref<5000x16xf32, #tpu.memory_space<vmem>> -> memref<125x16xf32, #tpu.memory_space<vmem>>
        %dma_start3A_45 = arith.constant 0 : i32
        %dma_start3A_46 = tpu.memref_slice %arg7[%add3A_40, %dma_start3A_45] : memref<40x125xi32, #tpu.memory_space<vmem>> -> memref<1x125xi32, #tpu.memory_space<vmem>>
        %dma_start3A_47 = tpu.memref_squeeze %dma_start3A_46 : memref<1x125xi32, #tpu.memory_space<vmem>> -> memref<125xi32, #tpu.memory_space<vmem>>
        %dma_start3A_48 = arith.constant 0 : i32
        %dma_start3A_49 = arith.constant 0 : i32
        %dma_start3A_50 = tpu.memref_slice %arg8[%dma_start3A_48, %dma_start3A_49] : memref<10240x16xf32, #tpu.memory_space<vmem_shared>> -> memref<10240x16xf32, #tpu.memory_space<vmem_shared>>
        tpu.enqueue_indirect_dma source(%dma_start3A_44 : memref<125x16xf32, #tpu.memory_space<vmem>>) target(%dma_start3A_50 : memref<10240x16xf32, #tpu.memory_space<vmem_shared>>) offsets(%dma_start3A_47 : memref<125xi32, #tpu.memory_space<vmem>>) semaphore(%run_scoped3A : memref<!tpu.dma_semaphore, #tpu.memory_space<semaphore_mem>>) {add = true}
        %dma_wait3A_51 = arith.constant 0 : i32
        %dma_wait3A_52 = tpu.memref_slice %arg6[%mul3A_42, %dma_wait3A_51] : memref<5000x16xf32, #tpu.memory_space<vmem>> -> memref<125x16xf32, #tpu.memory_space<vmem>>
        %dma_wait3A_53 = arith.constant 0 : i32
        %dma_wait3A_54 = tpu.memref_slice %arg7[%add3A_40, %dma_wait3A_53] : memref<40x125xi32, #tpu.memory_space<vmem>> -> memref<1x125xi32, #tpu.memory_space<vmem>>
        %dma_wait3A_55 = tpu.memref_squeeze %dma_wait3A_54 : memref<1x125xi32, #tpu.memory_space<vmem>> -> memref<125xi32, #tpu.memory_space<vmem>>
        %dma_wait3A_56 = arith.constant 0 : i32
        %dma_wait3A_57 = arith.constant 0 : i32
        %dma_wait3A_58 = tpu.memref_slice %arg8[%dma_wait3A_56, %dma_wait3A_57] : memref<10240x16xf32, #tpu.memory_space<vmem_shared>> -> memref<10240x16xf32, #tpu.memory_space<vmem_shared>>
        tpu.wait_indirect_dma semaphore(%run_scoped3A : memref<!tpu.dma_semaphore, #tpu.memory_space<semaphore_mem>>) src(%dma_wait3A_52 : memref<125x16xf32, #tpu.memory_space<vmem>>) dst(%dma_wait3A_58 : memref<10240x16xf32, #tpu.memory_space<vmem_shared>>)
        tpu.yield
      }) : () -> ()
    }
    %scan3A_30 = arith.constant 40 : i32
    %barrier3A_31 = arith.constant 0 : index
    tpu.barrier barrier_id(%barrier3A_31)
    %mul3A_32 = arith.constant 640 : i32
    %mul3A_33 = arith.muli %arg1, %mul3A_32 : i32
    %mul3A_34 = arith.constant 640 : i32
    %mul3A_35 = arith.muli %arg1, %mul3A_34 : i32
    "tpu.region"() ({
      %run_scoped3A = tpu.sem_alloc : memref<!tpu.dma_semaphore, #tpu.memory_space<semaphore_mem>>
      %dma_start3A_36 = arith.constant 0 : i32
      %dma_start3A_37 = arith.constant 0 : i32
      %dma_start3A_38 = tpu.memref_slice %arg5[%arg0, %dma_start3A_36, %dma_start3A_37] : memref<2x10240x16xf32, #tpu.memory_space<hbm>> -> memref<1x10240x16xf32, #tpu.memory_space<hbm>>
      %dma_start3A_39 = tpu.memref_squeeze %dma_start3A_38 : memref<1x10240x16xf32, #tpu.memory_space<hbm>> -> memref<10240x16xf32, #tpu.memory_space<hbm>>
      %dma_start3A_40 = arith.constant 0 : i32
      %dma_start3A_41 = tpu.memref_slice %dma_start3A_39[%mul3A_35, %dma_start3A_40] : memref<10240x16xf32, #tpu.memory_space<hbm>> -> memref<640x16xf32, #tpu.memory_space<hbm>>
      %dma_start3A_42 = arith.constant 0 : i32
      %dma_start3A_43 = tpu.memref_slice %arg8[%mul3A_33, %dma_start3A_42] : memref<10240x16xf32, #tpu.memory_space<vmem_shared>> -> memref<640x16xf32, #tpu.memory_space<vmem_shared>>
      tpu.enqueue_dma source(%dma_start3A_43 : memref<640x16xf32, #tpu.memory_space<vmem_shared>>) target(%dma_start3A_41 : memref<640x16xf32, #tpu.memory_space<hbm>>) target_semaphore(%run_scoped3A : memref<!tpu.dma_semaphore, #tpu.memory_space<semaphore_mem>>)
      %dma_wait3A_44 = arith.constant 0 : i32
      %dma_wait3A_45 = arith.constant 0 : i32
      %dma_wait3A_46 = tpu.memref_slice %arg5[%arg0, %dma_wait3A_44, %dma_wait3A_45] : memref<2x10240x16xf32, #tpu.memory_space<hbm>> -> memref<1x10240x16xf32, #tpu.memory_space<hbm>>
      %dma_wait3A_47 = tpu.memref_squeeze %dma_wait3A_46 : memref<1x10240x16xf32, #tpu.memory_space<hbm>> -> memref<10240x16xf32, #tpu.memory_space<hbm>>
      %dma_wait3A_48 = arith.constant 0 : i32
      %dma_wait3A_49 = tpu.memref_slice %dma_wait3A_47[%mul3A_35, %dma_wait3A_48] : memref<10240x16xf32, #tpu.memory_space<hbm>> -> memref<640x16xf32, #tpu.memory_space<hbm>>
      %dma_wait3A_50 = arith.constant 0 : i32
      %dma_wait3A_51 = tpu.memref_slice %arg8[%mul3A_33, %dma_wait3A_50] : memref<10240x16xf32, #tpu.memory_space<vmem_shared>> -> memref<640x16xf32, #tpu.memory_space<vmem_shared>>
      tpu.wait_dma2 semaphore(%run_scoped3A : memref<!tpu.dma_semaphore, #tpu.memory_space<semaphore_mem>>) src(%dma_wait3A_51 : memref<640x16xf32, #tpu.memory_space<vmem_shared>>) dst(%dma_wait3A_49 : memref<640x16xf32, #tpu.memory_space<hbm>>)
      tpu.yield
    }) : () -> ()
    return
  }
}

</mosaic_0001>

<sc_bundles>
// kernel: _sc_k1.3.cloned.1.call-start
scs
__scs_entry_jumppad:
0x0: {  	(pc) =	sbr.rel $0x88, $3  }
0x1: {  	(tag) =	ssettag $0x0;
	lr =	simm.s32 $0x1  }
0x2: {  	[smem:$0x3F9E] =	sst lr;
	_ =	strace $0xD0000000  }
0x3: {  	_ = 	snop  }
0x4: {  	_ = 	snop  }
0x5: {  	_ = 	snop  }
0x6: {  	_ = 	snop  }
0x7: {  	_ = 	snop  }
__scs_overlays_trampoline_lowered:
0x8: {  	[smem:$0x3FAD] =	sst s0  }
0x9: {  	[smem:$0x3FAE] =	sst s1  }
0xa: {  	[smem:$0x3FAF] =	sst s2  }
0xb: {  	[smem:$0x3FB0] =	sst s3  }
0xc: {  	[smem:$0x3FB1] =	sst s4  }
0xd: {  	[smem:$0x3FB2] =	sst s5  }
0xe: {  	[smem:$0x3FB3] =	sst s6  }
0xf: {  	[smem:$0x3FB4] =	sst s7  }
0x10: {  	[smem:$0x3FB5] =	sst s8  }
0x11: {  	[smem:$0x3FB6] =	sst s9;
	s0 =	simm.s32 @!p0 $0x0  }
0x12: {  	s1 =	sld [smem:$0x3F9C];
	s0 =	simm.s32 @p0 $0x1  }
0x13: {  	[smem:$0x3FB7] =	sst s0;
	s0 =	simm.s32 @!p1 $0x0  }
0x14: {  	s2 =	sld [smem:$0x3F9B];
	s0 =	simm.s32 @p1 $0x1  }
0x15: {  	[smem:$0x3FB8] =	sst s0;
	s0 =	simm.s32 @!p2 $0x0  }
0x16: {  	s3 =	sld [smem:$0x3FDB];
	s0 =	simm.s32 @p2 $0x1  }
0x17: {  	s4 =	simm.s32 $0x1BF5;
	[smem:$0x3FBA] =	sst s0  }
0x18: {  	s0 =	sld [smem:$0x3F9D];
	_ =	swait.ge [sflag:s4], $0x0  }
0x19: {  	s7 =	sld [smem:$0x3F9E]  }
0x1a: {  	s8 =	sadd.s32 $0xFFFFE003, lr  }
0x1b: {  	s9 =	sadd.s32 $0xFFFFFEF7, lr;
	s5 =	simm.s32 $0xFFFFFFFF;
	p2 =	slt.u32 s8, $0xFFFFF086  }
0x1c: {  	p1 =	slt.u32 s9, $0xF7A;
	s5 =	simm.s32 @!p2 $0x0  }
0x1d: {  	s5 =	simm.s32 @p1 $0x1;
	p0 =	seq.s32 s7, s2  }
0x1e: {  	s7 =	smul.u32 @!p0 $0xF7A, s2;
	p2 =	seq.s32 @!p0 s5, $0x0  }
0x1f: {  	s9 =	smul.u32 $0xF7A, s1;
	s8 =	simm.s32 @!p0 $0x1BF5;
	p2 =	por !p2, p0  }
0x20: {  	[sflag:s8] =	ssyncset.s32 @!p0 $0xFFFFF086;
	s6 =	sadd.s32 @!p0 s3, s7;
	s7 =	simm.s32 @!p0 $0x108  }
0x21: {  	s3 =	sadd.s32 s3, s9;
	s6 =	sadd.s32 @!p0 $0x88, s6;
	s7 =	simm.s32 @p2 $0x1082  }
0x22: {  	[simem:s7], [sflag:s8] =	dma.local @!p0 [hbm:s6], $0xF7A  }
0x23: {  	s9 =	sor.u32 $0xD0000000, s2;
	s6 =	simm.s32 $0x108;
	_ =	swait.ge @!p0 [sflag:s8], $0x0  }
0x24: {  	s3 =	sadd.s32 $0x88, s3;
	s6 =	simm.s32 @!p1 $0x1082;
	[sflag:s4] =	ssyncset.s32 $0xFFFFF086  }
0x25: {  	[simem:s6], [sflag:s4] =	dma.local [hbm:s3], $0xF7A  }
0x26: {  	[smem:$0x3F9E] =	sst s1;
	(tag) =	ssettag s2;
	_ =	strace s9  }
0x27: {  	s1 =	sld [smem:$0x3FAE]  }
0x28: {  	s2 =	sld [smem:$0x3FAF]  }
0x29: {  	s4 =	sld [smem:$0x3FB1]  }
0x2a: {  	p0 =	seq.s32 s5, $0x0;
	s5 =	sld [smem:$0x3FB2]  }
0x2b: {  	s6 =	sld [smem:$0x3FB3]  }
0x2c: {  	s7 =	sld [smem:$0x3FB4]  }
0x2d: {  	s3 =	simm.s32 $0x108;
	s8 =	sld [smem:$0x3FB5]  }
0x2e: {  	s3 =	simm.s32 @!p0 $0x1082;
	s9 =	sld [smem:$0x3FB6]  }
0x2f: {  	lr =	sadd.s32 s0, s3;
	s0 =	sld [smem:$0x3FAD]  }
0x30: {  	s3 =	sld [smem:$0x3FB0]  }
0x31: {  	[smem:$0x3FB9] =	sst s10  }
0x32: {  	s10 =	sld [smem:$0x3FB7];
	_ =	sdelay $0x3  }
0x33: {  	p0 =	seq.s32 s10, $0x1;
	s10 =	sld [smem:$0x3FB9];
	_ =	sdelay $0x3  }
0x34: {  	[smem:$0x3FB9] =	sst s10  }
0x35: {  	s10 =	sld [smem:$0x3FB8];
	_ =	sdelay $0x3  }
0x36: {  	p1 =	seq.s32 s10, $0x1;
	s10 =	sld [smem:$0x3FB9];
	_ =	sdelay $0x3  }
0x37: {  	[smem:$0x3FB9] =	sst s10  }
0x38: {  	s10 =	sld [smem:$0x3FBA]  }
0x39: {  	_ = 	snop;
	(pc) =	sbr.ind lr, $3  }
0x3a: {  	_ = 	snop  }
0x3b: {  	_ = 	snop  }
0x3c: {  	p2 =	seq.s32 s10, $0x1;
	s10 =	sld [smem:$0x3FB9]  }
0x3d: {  	_ =	shalt  }
0x3e: {  	_ =	shalt  }
0x3f: {  	_ =	shalt  }
0x40: {  	_ =	shalt  }
0x41: {  	_ =	shalt  }
0x42: {  	_ =	shalt  }
0x43: {  	_ =	shalt  }
0x44: {  	_ =	shalt  }
0x45: {  	_ =	shalt  }
0x46: {  	_ =	shalt  }
0x47: {  	_ =	shalt  }
0x48: {  	_ =	shalt  }
0x49: {  	_ =	shalt  }
0x4a: {  	_ =	shalt  }
0x4b: {  	_ =	shalt  }
0x4c: {  	_ =	shalt  }
0x4d: {  	_ =	shalt  }
0x4e: {  	_ =	shalt  }
0x4f: {  	_ =	shalt  }
0x50: {  	_ =	shalt  }
0x51: {  	_ =	shalt  }
0x52: {  	_ =	shalt  }
0x53: {  	_ =	shalt  }
0x54: {  	_ =	shalt  }
0x55: {  	_ =	shalt  }
0x56: {  	_ =	shalt  }
0x57: {  	_ =	shalt  }
0x58: {  	_ =	shalt  }
0x59: {  	_ =	shalt  }
0x5a: {  	_ =	shalt  }
0x5b: {  	_ =	shalt  }
0x5c: {  	_ =	shalt  }
0x5d: {  	_ =	shalt  }
0x5e: {  	_ =	shalt  }
0x5f: {  	_ =	shalt  }
0x60: {  	_ =	shalt  }
0x61: {  	_ =	shalt  }
0x62: {  	_ =	shalt  }
0x63: {  	_ =	shalt  }
0x64: {  	_ =	shalt  }
0x65: {  	_ =	shalt  }
0x66: {  	_ =	shalt  }
0x67: {  	_ =	shalt  }
0x68: {  	_ =	shalt  }
0x69: {  	_ =	shalt  }
0x6a: {  	_ =	shalt  }
0x6b: {  	_ =	shalt  }
0x6c: {  	_ =	shalt  }
0x6d: {  	_ =	shalt  }
0x6e: {  	_ =	shalt  }
0x6f: {  	_ =	shalt  }
0x70: {  	_ =	shalt  }
0x71: {  	_ =	shalt  }
0x72: {  	_ =	shalt  }
0x73: {  	_ =	shalt  }
0x74: {  	_ =	shalt  }
0x75: {  	_ =	shalt  }
0x76: {  	_ =	shalt  }
0x77: {  	_ =	shalt  }
0x78: {  	_ =	shalt  }
0x79: {  	_ =	shalt  }
0x7a: {  	_ =	shalt  }
0x7b: {  	_ =	shalt  }
0x7c: {  	_ =	shalt  }
0x7d: {  	_ =	shalt  }
0x7e: {  	_ =	shalt  }
0x7f: {  	_ =	shalt  }
0x80: {  	_ =	shalt  }
0x81: {  	_ =	shalt  }
0x82: {  	_ =	shalt  }
0x83: {  	_ =	shalt  }
0x84: {  	_ =	shalt  }
0x85: {  	_ =	shalt  }
0x86: {  	_ =	shalt  }
0x87: {  	_ =	shalt  }
.Lfunc_end0:
.L_simem_size_0:
called_computation_lowered:
.L_overlay_start_0:
0x88: {  	s2 =	sld [smem:$0x3FD9]  }
0x89: {  	s3 =	sld [smem:$0x3FFE];
	_ =	sdelay $0x1  }
0x8a: {  	s1 =	srdreg.scid  }
0x8b: {  	s0 =	sand.u32 $0x1, s1  }
0x8c: {  	s17 =	sshll.u32 s0, $0xA;
	s2 =	sadd.s32 s3, s2  }
0x8d: {  	s2 =	sadd.s32 s2, s17  }
0x8e: {  	[smem:$0x3FC5] =	sst s2  }
0x8f: {  	_ = 	snop  }
0x90: {  	s2 =	sld [smem:$0x3FD0];
	(tm) =	ssettm $0x1  }
0x91: {  	s18 =	sld [smem:$0x3FFB];
	_ =	sdelay $0x3  }
0x92: {  	_ =	strace s18  }
0x93: {  	s3 =	sld [smem:$0x3FFC];
	_ =	sdelay $0x3  }
0x94: {  	_ =	strace s3  }
0x95: {  	s3 =	sld [smem:$0x3FFD];
	_ =	sdelay $0x3  }
0x96: {  	_ =	strace s3  }
0x97: {  	_ =	strace $0x8FFFFFFF  }
0x98: {  	s19 =	sld [smem:$0x3FDB];
	_ =	sdelay $0x1  }
0x99: {  	s4 =	simm.s32 $_scs_section_size  }
0x9a: {  	s5 =	simm.s32 $_size__tile_overlayer_lowered;
	s6 =	simm.s32 $_tile_overlayer_lowered  }
0x9b: {  	s22 =	simm.s32 $0x1BFF;
	s21 =	sshll.u32 s6, $0x1;
	s3 =	sadd.s32 s4, s19  }
0x9c: {  	s7 =	simm.s32 $0x0;
	s20 =	sshll.u32 s5, $0x1;
	s5 =	sadd.s32 s21, s3  }
0x9d: {  	[timem:s7], [sflag:s22] =	dma.local [hbm:s5], s20  }
0x9e: {  	_ =	swait.ge [sflag:s22], s20  }
0x9f: {  	s4 =	ssub.s32 $0x0, s20;
	[sflag:s22] =	ssyncset.done $0x0  }
0xa0: {  	[sflag:s22] =	ssyncadd.s32 s4;
	_ =	sdelay $0x1  }
0xa1: {  	s23 =	simm.s32 $0x1B8B  }
0xa2: {  	_ =	swait.ge [sflag:s23], $0x1  }
0xa3: {  	[sflag:s23] =	ssyncset.done $0x0  }
0xa4: {  	s25 =	simm.s32 $0x1B8E;
	s24 =	sld [smem:$0x3FFE];
	[sflag:s23] =	ssyncadd.s32 $0xFFFFFFFF  }
0xa5: {  	s26 =	simm.s32 $execute0_lowered;
	[smem:$0x3FD2] =	sst s25  }
0xa6: {  	s5 =	sshll.u32 s26, $0x1;
	_ =	strace $0x80000046;
	[dreg:$0x1] =	wrdreg $0xFFFFFFFF  }
0xa7: {  	s28 =	simm.s32 $_size_execute0_lowered;
	s3 =	sadd.s32 s3, s5;
	[dreg:$0x0] =	wrdreg $0x0  }
0xa8: {  	s5 =	sshll.u32 s28, $0x1;
	[dreg:$0x2] =	wrdreg s3  }
0xa9: {  	[dreg:$0x3] =	wrdreg s5  }
0xaa: {  	[dreg:$0x4] =	wrdreg $0xC0  }
0xab: {  	_ =	task [dreg:s7], $0x5FFFF  }
0xac: {  	[dreg:$0x1] =	wrdreg $0xFFFFFFFF  }
0xad: {  	[dreg:$0x0] =	wrdreg $0x60  }
0xae: {  	[dreg:$0x2] =	wrdreg s24  }
0xaf: {  	[dreg:$0x3] =	wrdreg s2  }
0xb0: {  	[dreg:$0x4] =	wrdreg $0x14C800  }
0xb1: {  	[dreg:$0x5] =	wrdreg $0x9  }
0xb2: {  	_ =	task.clear_ibuf [dreg:s7], $0x6FFFF;
	_ =	strace $0x90000046  }
0xb3: {  	s29 =	simm.s32 $0x9;
	_ =	strace $0x80000048  }
0xb4: {  	_ =	swait.ge [sflag:s29], $0x1  }
0xb5: {  	[sflag:s29] =	ssyncadd.s32 $0xFFFFFFFF  }
0xb6: {  	_ =	strace $0x90000048  }
0xb7: {  	_ =	sfence  }
0xb8: {  	s30 =	sld [smem:$0x0];
	_ =	sdelay $0x2  }
0xb9: {  	s31 =	sshll.u32 s1, $0xD;
	s1 =	sshrl.u32 s1, $0x2  }
0xba: {  	s3 =	sand.u32 $0x4000, s31;
	s1 =	sadd.s32 s1, s30  }
0xbb: {  	s0 =	sor.u32 s3, s0;
	s1 =	sshll.u32 s1, $0x11  }
0xbc: {  	s0 =	sor.u32 s1, s0  }
0xbd: {  	s0 =	sadd.s32 $0x8F2B, s0  }
0xbe: {  	[sflag:s0] =	ssyncadd.remote.s32 $0x1  }
0xbf: {  	_ =	sfence.sel $0xFFFF  }
0xc0: {  	[dreg:$0x0] =	wrdreg $0xFFFFFFFF;
	(pc) =	sbr.abs _section_cstart, $3  }
0xc1: {  	[dreg:$0x1] =	wrdreg $0xFFFFFFFF  }
0xc2: {  	_ =	task.clear_ibuf [dreg:s7], $0x2FFFF;
	_ =	strace $0x9FFFFFFF  }
0xc3: {  	(tm) =	ssettm $0x7FFFFFFF  }
tec
execute0_lowered:
.L_overlay_start_1:
0x0: {  	(tag) =	ssettag $0x1  }
0x1: {  	s3 =	rddreg [dreg:$0x0]  }
0x2: {  	s0 =	srdreg.scid;
	s6 =	rddreg [dreg:$0x1]  }
0x3: {  	s13 =	stileid.u32;
	s1 =	rddreg [dreg:$0x2];
	s2 =	simm.s32 $0x0  }
0x4: {  	s11 =	simm.s32 $0x2;
	s4 =	sand.u32 $0x1, s0;
	s0 =	rddreg [dreg:$0x3]  }
0x5: {  	s30 =	sshll.u32 s13, $0x1;
	[smem:$0x7FF] =	sst s2;
	s10 =	smul.u32 $0x2800, s13  }
0x6: {  	p0 =	sne.s32 s13, $0x0;
	s5 =	sor.u32 s4, s30;
	s9 =	smul.u32 $0x5000, s4  }
0x7: {  	s13 =	sshll.u32 s13, $0x6;
	_ =	strace $0x80000047;
	s7 =	smul.u32 $0x2710, s5  }
0x8: {  	s8 =	ssub.s32 $0x2, s4;
	s13 =	sor.u32 $0x1C02, s13;
	s5 =	smul.u32 $0x280, s5  }
0x9: {  	s31 =	sshrl.u32 s8, $0x1;
	s14 =	sshrl.u32 s10, $0x3;
	s15 =	sadd.s32 s10, s1  }
0xa: {  	s10 =	simm.s32 $0x7D;
	s8 =	ssub.s32 s8, s31;
	s12 =	sadd.s32 s6, s9  }
0xb: {  	s9 =	simm.s32 $0x13880;
	s7 =	sadd.s32 s7, s3;
	s5 =	sadd.s32 s5, s3  }
0xc: {  	s3 =	sadd.s32 $0x800, s3;
	s6 =	smax.u32 s8, $0x1;
	s8 =	simm.s32 $0x1  }
0xd: {  	s12 =	sadd.s32 s14, s12;
	s14 =	sshrl.u32 s15, $0x3;
	s15 =	simm.s32 $0x0  }
0xe: {  	s4 =	sadd.s32 $0x271800, s7;
	s5 =	sadd.s32 $0x5800, s5;
	s7 =	sshrl.u32 @!p0 s1, $0x3  }
.LBB2_1:
0xf: {  	s16 =	simm.s32 @!p0 $0x1C02  }
0x10: {  	[spmem:s7], [sflag:s16] =	dma.local @!p0 [hbm:s3], $0x5000  }
0x11: {  	s16 =	simm.s32 @!p0 $0x2  }
0x12: {  	_ =	swait.ge @!p0 [sflag:s16], $0x5000  }
0x13: {  	[sflag:s16] =	ssyncset.done @!p0 $0x0  }
0x14: {  	[sflag:s16] =	ssyncadd.s32 @!p0 $0xFFFFB000  }
0x15: {  	[tilespmem:s2], [sflag:$0x1] =	stream.linear.gather [hbm4b:s4+s2], $0x13880, $0x38;
	[tilespmem:$0x17480] =	vst v63  }
0x16: {  	_ =	swait.ge [sflag:s8], $0x13880  }
0x17: {  	[sflag:s8] =	ssyncset.done $0x0  }
0x18: {  	[sflag:s8] =	ssyncadd.s32 $0xFFFEC780  }
0x19: {  	[tilespmem:s9], [sflag:$0x1] =	stream.linear.gather [hbm4b:s5+s2], $0x1400, $0x38;
	[tilespmem:$0x17480] =	vst v63  }
0x1a: {  	_ =	swait.ge [sflag:s8], $0x1400  }
0x1b: {  	[sflag:s8] =	ssyncset.done $0x0  }
0x1c: {  	[sflag:s8] =	ssyncadd.s32 $0xFFFFEC00  }
0x1d: {  	s31 =	simm.s32 $0x13880;
	[bflag:$0x0] =	sbarrier.arrive $0xFFFF  }
0x1e: {  	[spmem:s1] =	stream.indirect.scatter.add.f32 [tilespmem:s2], [sflag:$0x2], $0x10, s31, s10, $0xb8;
	[tilespmem:$0x17480] =	vst v63  }
0x1f: {  	s17 =	simm.s32 $0x0;
	s16 =	simm.s32 $0x200;
	_ =	swait.ge [sflag:s11], $0x7D0  }
.LBB2_2:
0x20: {  	s18 =	sshra.s32 s16, $0x2  }
0x21: {  	[sflag:s11] =	ssyncset.done $0x0;
	s17 =	sadd.s32 $0x7D0, s17;
	p1 =	sne.s32 s16, $0x4E00  }
.Ltmp0:
0x22: {  	s18 =	sadd.s32 $0x13880, s18;
	[sflag:s11] =	ssyncadd.s32 $0xFFFFF830;
	(pc) =	sbr.rel @p1 .LBB2_2-.Ltmp0, $3  }
0x23: {  	[spmem:s1] =	stream.indirect.scatter.add.f32 [tilespmem:s17], [sflag:$0x2], $0x10, s18, s10, $0xb8;
	[tilespmem:$0x17480] =	vst v63  }
0x24: {  	s16 =	sadd.s32 $0x200, s16;
	_ =	sdelay $0x1  }
0x25: {  	_ =	swait.ge [sflag:s11], $0x7D0  }
0x26: {  	[sflag:s11] =	ssyncset.done $0x0;
	s15 =	sadd.s32 $0x1, s15  }
0x27: {  	[sflag:s11] =	ssyncadd.s32 $0xFFFFF830;
	p1 =	sne.s32 s15, s6  }
.Ltmp1:
0x28: {  	[bflag:$0x0] =	sbarrier.arrive $0xFFFF;
	(pc) =	sbr.rel @p1 .LBB2_1-.Ltmp1, $4  }
0x29: {  	[hbm:s12], [sflag:s13] =	dma.local [spmem:s14], $0x500  }
0x2a: {  	_ =	swait.ge [sflag:s11], $0x500  }
0x2b: {  	[sflag:s11] =	ssyncset.done $0x0  }
0x2c: {  	[sflag:s11] =	ssyncadd.s32 $0xFFFFFB00  }
0x2d: {  	_ =	sfence.sel $0x180000  }
0x2e: {  	[bflag:$0x0] =	sbarrier.arrive $0xFFFF  }
0x2f: {  	_ =	strace $0x90000047  }
0x30: {  	s0 =	sadd.s32 @!p0 $0x100000, s0;
	[bflag:$0x2] =	sbarrier.arrive $0xFFFF  }
0x31: {  	[sflag:s0] =	ssyncadd.tile.s32 @!p0 $0x1;
	_ =	shalt  }
.Lfunc_end2:
_tile_overlayer_lowered:
.L_overlay_start_2:
0x32: {  	(tag) =	ssettag $0x2  }
0x33: {  	s0 =	rddreg [dreg:$0x0];
	s2 =	stileid.u32  }
0x34: {  	s1 =	rddreg [dreg:$0x1];
	p0 =	sne.s32 s2, $0x0  }
0x35: {  	s3 =	rddreg [dreg:$0x2];
	[bflag:$0x3] =	sbarrier.arrive $0xFFFF;
	s2 =	simm.s32 @!p0 $0x1C02  }
0x36: {  	[timem:s3], [sflag:s2] =	dma.local @!p0 [hbm:s0], s1  }
0x37: {  	s0 =	simm.s32 @!p0 $0x2  }
0x38: {  	_ =	swait.ge @!p0 [sflag:s0], s1  }
0x39: {  	s1 =	ssub.s32 @!p0 $0x0, s1;
	[sflag:s0] =	ssyncset.done @!p0 $0x0  }
0x3a: {  	[sflag:s0] =	ssyncadd.s32 @!p0 s1  }
0x3b: {  	[bflag:$0x3] =	sbarrier.arrive $0xFFFF  }
0x3c: {  	_ =	shalt  }

</sc_bundles>
